<compile_context>
chip_gen: v7x
topology: tpu7x:2x2x1
jax: 0.10.2.dev20260603
libtpu: 0.0.44.dev20260713+nightly
codegen_flags: <defaults>
</compile_context>

<pallas_src>
import functools

import jax
import jax.numpy as jnp
from jax import lax
from jax.experimental import pallas as pl
from jax.experimental.pallas import tpu as pltpu
from jax.experimental.pallas import tpu_sc as plsc

NUM_CODES = 1024
DIM = 64
N_ROWS = 9216
NC, NS, LANES = 2, 16, 16
NW = NC * NS
B_PER_W = N_ROWS // NW
TC_BLOCK = 1152
IDX_W = 8


def _vq_idx_block(x_ref, e_ref, idx_ref, epad_ref):
    x = x_ref[...].reshape(TC_BLOCK, DIM)
    e = e_ref[...]
    en = jnp.sum(e * e, axis=1, keepdims=True)
    mmT = jax.lax.dot_general(
        e, x, (((1,), (1,)), ((), ())), preferred_element_type=jnp.float32)
    dT = en - 2.0 * mmT
    bits = jax.lax.bitcast_convert_type(dT, jnp.int32)
    key = jnp.where(bits < 0, jnp.int32(-2147483648) - bits, bits)
    code = jax.lax.broadcasted_iota(jnp.int32, dT.shape, 0)
    packed = (key & jnp.int32(~(NUM_CODES - 1))) | code
    m = packed[0:128, :]
    for k in range(1, 8):
        m = jnp.minimum(m, packed[128 * k:128 * (k + 1), :])
    m = jnp.min(m, axis=0, keepdims=True)
    idx = m & jnp.int32(NUM_CODES - 1)
    idx_ref[...] = jnp.broadcast_to(idx, (IDX_W, idx.shape[1]))
    i = pl.program_id(0)
    chunk = e_ref[pl.ds(i * 128, 128), :]
    epad_ref[...] = jnp.concatenate(
        [chunk, jnp.zeros((128, DIM), jnp.float32)], axis=1)


def _tc_indices(inputs, embedding):
    grid = (N_ROWS // TC_BLOCK,)
    return pl.pallas_call(
        _vq_idx_block,
        grid=grid,
        in_specs=[
            pl.BlockSpec((2, 576, DIM), lambda i: (i, 0, 0)),
            pl.BlockSpec((NUM_CODES, DIM), lambda i: (0, 0)),
        ],
        out_specs=[
            pl.BlockSpec((IDX_W, TC_BLOCK), lambda i: (0, i)),
            pl.BlockSpec((128, 2 * DIM), lambda i: (i, 0)),
        ],
        out_shape=[
            jax.ShapeDtypeStruct((IDX_W, N_ROWS), jnp.int32),
            jax.ShapeDtypeStruct((NUM_CODES, 2 * DIM), jnp.float32),
        ],
    )(inputs, embedding)


def _sc_gather_combine(e_hbm, idx_hbm, x_hbm, out_hbm,
                       rows_idx, rows_v, x_v, out_v, sem, sem2):
    wid = lax.axis_index("s") * NC + lax.axis_index("c")
    base = wid * B_PER_W
    b = wid // 2
    h = wid % 2
    x_copy = pltpu.async_copy(
        x_hbm.at[b, pl.ds(h * B_PER_W, B_PER_W), :], x_v, sem2)
    pltpu.sync_copy(idx_hbm.at[pl.ds(base, B_PER_W)], rows_idx)
    pltpu.async_copy(e_hbm.at[rows_idx], rows_v, sem).wait()
    x_copy.wait()

    @plsc.parallel_loop(0, B_PER_W, 1, unroll=8)
    def body(i):
        for j in range(DIM // LANES):
            sl = pl.ds(j * LANES, LANES)
            c = rows_v[i, sl]
            xx = x_v[i, sl]
            out_v[i, sl] = c + (xx - c)
    pltpu.sync_copy(out_v, out_hbm.at[b, pl.ds(h * B_PER_W, B_PER_W), :])


def kernel(inputs, embedding):
    idx, e_pad = _tc_indices(inputs, embedding)
    sc = pl.kernel(
        _sc_gather_combine,
        out_type=jax.ShapeDtypeStruct((16, 576, DIM), jnp.float32),
        mesh=plsc.VectorSubcoreMesh(core_axis_name="c", subcore_axis_name="s"),
        scratch_types=[
            pltpu.VMEM((B_PER_W,), jnp.int32),
            pltpu.VMEM((B_PER_W, 2 * DIM), jnp.float32),
            pltpu.VMEM((B_PER_W, DIM), jnp.float32),
            pltpu.VMEM((B_PER_W, DIM), jnp.float32),
            pltpu.SemaphoreType.DMA,
            pltpu.SemaphoreType.DMA,
        ],
    )
    return sc(e_pad, idx.reshape(-1), inputs)

# --- scband reference (transcript-rebuilt; emitter-appended) ---
"""Pipeline reference for scband-vqlayer-31748398252207 (READ-ONLY COPY).

The authoritative reference and input builder live on the scoring server;
editing this copy changes nothing except your own understanding.
"""

import jax, jax.numpy as jnp
import numpy as np

NUM_EMBEDDINGS = 1024
EMBEDDING_DIM = 64


def setup_inputs(seed: int = 0) -> dict:
    key = jax.random.key(seed)
    k1, k2 = jax.random.split(key)
    inputs = jax.random.normal(k1, (16, 576, EMBEDDING_DIM), dtype=jnp.float32)
    # glorot_uniform for (num_embeddings, embedding_dim)
    limit = float(np.sqrt(6.0 / (NUM_EMBEDDINGS + EMBEDDING_DIM)))
    embedding = jax.random.uniform(k2, (NUM_EMBEDDINGS, EMBEDDING_DIM), dtype=jnp.float32, minval=-limit, maxval=limit)
    return {"inputs": inputs, "embedding": embedding}


def reference(inputs, embedding):
    embedding_dim = embedding.shape[1]
    flat_inputs = inputs.reshape(-1, embedding_dim)
    # squared L2 distances: sum((x - e)^2) = |x|^2 - 2 x.e + |e|^2 (same math as
    # the broadcasted tf.reduce_sum(tf.square(x[:,None,:] - E), axis=2))
    distances = (
        jnp.sum(flat_inputs * flat_inputs, axis=1, keepdims=True)
        - 2.0 * (flat_inputs @ embedding.T)
        + jnp.sum(embedding * embedding, axis=1)[None, :]
    )
    embedding_indices = jnp.argmin(distances, axis=1)
    embedding_indices = embedding_indices.reshape(inputs.shape[:-1])
    closest_embeddings = jnp.take(embedding, embedding_indices, axis=0)
    quantized = closest_embeddings + jax.lax.stop_gradient(inputs - closest_embeddings)
    return quantized

if __name__ == "__main__":
    import jax
    _d = setup_inputs()
    print(jax.jit(kernel)(*tuple(_d.values())))

</pallas_src>

<mosaic_0001>
#map = affine_map<(d0, d1) -> (0, 0)>
#map1 = affine_map<(d0, d1) -> (0)>
#map2 = affine_map<(d0, d1) -> (0, 0, 0)>
module attributes {stable_mosaic.version = 14 : i64} {
  func.func @_sc_gather_combine(%arg0: i32, %arg1: i32, %arg2: memref<1024x128xf32, #tpu.memory_space<hbm>>, %arg3: memref<73728xi32, #tpu.memory_space<hbm>>, %arg4: memref<16x576x64xf32, #tpu.memory_space<hbm>>, %arg5: memref<16x576x64xf32, #tpu.memory_space<hbm>>, %arg6: memref<288xi32, #tpu.memory_space<vmem>>, %arg7: memref<288x128xf32, #tpu.memory_space<vmem>>, %arg8: memref<288x64xf32, #tpu.memory_space<vmem>>, %arg9: memref<288x64xf32, #tpu.memory_space<vmem>>, %arg10: memref<!tpu.dma_semaphore, #tpu.memory_space<semaphore_mem>>, %arg11: memref<!tpu.dma_semaphore, #tpu.memory_space<semaphore_mem>>) attributes {dimension_semantics = [#tpu.dimension_semantics<core_parallel>, #tpu.dimension_semantics<subcore_parallel>], iteration_bounds = array<i64: 2, 16>, scalar_prefetch = 0 : i64, scratch_operands = 6 : i64, tpu.core_type = #tpu.core_type<sc_vector_subcore>, window_params = [{transform_indices = #map}, {transform_indices = #map1}, {transform_indices = #map2}, {transform_indices = #map2}]} {
    %mul3A = arith.constant 2 : i32
    %mul3A_0 = arith.muli %arg1, %mul3A : i32
    %add3A = arith.addi %mul3A_0, %arg0 : i32
    %mul3A_1 = arith.constant 288 : i32
    %mul3A_2 = arith.muli %add3A, %mul3A_1 : i32
    %jit3A = arith.constant 2 : i32
    %div3A = arith.divsi %add3A, %jit3A : i32
    %sign3A = arith.constant 0 : i32
    %sign3A_3 = arith.cmpi sgt, %add3A, %sign3A : i32
    %sign3A_4 = arith.extui %sign3A_3 : i1 to i32
    %sign3A_5 = arith.constant 0 : i32
    %sign3A_6 = arith.cmpi slt, %add3A, %sign3A_5 : i32
    %sign3A_7 = arith.extui %sign3A_6 : i1 to i32
    %sign3A_8 = arith.subi %sign3A_4, %sign3A_7 : i32
    %sign3A_9 = arith.constant 0 : i32
    %sign3A_10 = arith.cmpi sgt, %jit3A, %sign3A_9 : i32
    %sign3A_11 = arith.extui %sign3A_10 : i1 to i32
    %sign3A_12 = arith.constant 0 : i32
    %sign3A_13 = arith.cmpi slt, %jit3A, %sign3A_12 : i32
    %sign3A_14 = arith.extui %sign3A_13 : i1 to i32
    %sign3A_15 = arith.subi %sign3A_11, %sign3A_14 : i32
    %ne3A = arith.cmpi ne, %sign3A_8, %sign3A_15 : i32
    %rem3A = arith.remsi %add3A, %jit3A : i32
    %ne3A_16 = arith.constant 0 : i32
    %ne3A_17 = arith.cmpi ne, %rem3A, %ne3A_16 : i32
    %and3A = arith.andi %ne3A, %ne3A_17 : i1
    %sub3A = arith.constant 1 : i32
    %sub3A_18 = arith.subi %div3A, %sub3A : i32
    %select_n3A = arith.select %and3A, %sub3A_18, %div3A : i32
    %jit3A_19 = arith.constant 2 : i32
    %eq3A = arith.constant 0 : i32
    %eq3A_20 = arith.cmpi eq, %jit3A_19, %eq3A : i32
    %jit3A_21 = arith.constant 1 : i32
    %select_n3A_22 = arith.select %eq3A_20, %jit3A_21, %jit3A_19 : i32
    %rem3A_23 = arith.remsi %add3A, %select_n3A_22 : i32
    %ne3A_24 = arith.constant 0 : i32
    %ne3A_25 = arith.cmpi ne, %rem3A_23, %ne3A_24 : i32
    %lt3A = arith.constant 0 : i32
    %lt3A_26 = arith.cmpi slt, %rem3A_23, %lt3A : i32
    %lt3A_27 = arith.constant 0 : i32
    %lt3A_28 = arith.cmpi slt, %select_n3A_22, %lt3A_27 : i32
    %ne3A_29 = arith.xori %lt3A_26, %lt3A_28 : i1
    %and3A_30 = arith.andi %ne3A_29, %ne3A_25 : i1
    %add3A_31 = arith.addi %rem3A_23, %select_n3A_22 : i32
    %select_n3A_32 = arith.select %and3A_30, %add3A_31, %rem3A_23 : i32
    %mul3A_33 = arith.constant 288 : i32
    %mul3A_34 = arith.muli %select_n3A_32, %mul3A_33 : i32
    %dma_start3A = arith.constant 0 : i32
    %dma_start3A_35 = tpu.memref_slice %arg4[%select_n3A, %mul3A_34, %dma_start3A] : memref<16x576x64xf32, #tpu.memory_space<hbm>> -> memref<1x288x64xf32, #tpu.memory_space<hbm>>
    %dma_start3A_36 = tpu.memref_squeeze %dma_start3A_35 : memref<1x288x64xf32, #tpu.memory_space<hbm>> -> memref<288x64xf32, #tpu.memory_space<hbm>>
    %dma_start3A_37 = arith.constant 0 : i32
    %dma_start3A_38 = tpu.memref_slice %arg4[%select_n3A, %mul3A_34, %dma_start3A_37] : memref<16x576x64xf32, #tpu.memory_space<hbm>> -> memref<1x288x64xf32, #tpu.memory_space<hbm>>
    %dma_start3A_39 = tpu.memref_squeeze %dma_start3A_38 : memref<1x288x64xf32, #tpu.memory_space<hbm>> -> memref<288x64xf32, #tpu.memory_space<hbm>>
    tpu.enqueue_dma source(%dma_start3A_39 : memref<288x64xf32, #tpu.memory_space<hbm>>) target(%arg8 : memref<288x64xf32, #tpu.memory_space<vmem>>) target_semaphore(%arg11 : memref<!tpu.dma_semaphore, #tpu.memory_space<semaphore_mem>>)
    "tpu.region"() ({
      %run_scoped3A = tpu.sem_alloc : memref<!tpu.dma_semaphore, #tpu.memory_space<semaphore_mem>>
      %dma_start3A_55 = tpu.memref_slice %arg3[%mul3A_2] : memref<73728xi32, #tpu.memory_space<hbm>> -> memref<288xi32, #tpu.memory_space<hbm>>
      %dma_start3A_56 = tpu.memref_slice %arg3[%mul3A_2] : memref<73728xi32, #tpu.memory_space<hbm>> -> memref<288xi32, #tpu.memory_space<hbm>>
      tpu.enqueue_dma source(%dma_start3A_56 : memref<288xi32, #tpu.memory_space<hbm>>) target(%arg6 : memref<288xi32, #tpu.memory_space<vmem>>) target_semaphore(%run_scoped3A : memref<!tpu.dma_semaphore, #tpu.memory_space<semaphore_mem>>)
      %dma_wait3A_57 = tpu.memref_slice %arg3[%mul3A_2] : memref<73728xi32, #tpu.memory_space<hbm>> -> memref<288xi32, #tpu.memory_space<hbm>>
      %dma_wait3A_58 = tpu.memref_slice %arg3[%mul3A_2] : memref<73728xi32, #tpu.memory_space<hbm>> -> memref<288xi32, #tpu.memory_space<hbm>>
      tpu.wait_dma2 semaphore(%run_scoped3A : memref<!tpu.dma_semaphore, #tpu.memory_space<semaphore_mem>>) src(%dma_wait3A_58 : memref<288xi32, #tpu.memory_space<hbm>>) dst(%arg6 : memref<288xi32, #tpu.memory_space<vmem>>)
      tpu.yield
    }) : () -> ()
    %dma_start3A_40 = arith.constant 0 : i32
    %dma_start3A_41 = arith.constant 0 : i32
    %dma_start3A_42 = tpu.memref_slice %arg2[%dma_start3A_40, %dma_start3A_41] : memref<1024x128xf32, #tpu.memory_space<hbm>> -> memref<1024x128xf32, #tpu.memory_space<hbm>>
    tpu.enqueue_indirect_dma source(%dma_start3A_42 : memref<1024x128xf32, #tpu.memory_space<hbm>>) target(%arg7 : memref<288x128xf32, #tpu.memory_space<vmem>>) offsets(%arg6 : memref<288xi32, #tpu.memory_space<vmem>>) semaphore(%arg10 : memref<!tpu.dma_semaphore, #tpu.memory_space<semaphore_mem>>)
    %dma_wait3A = arith.constant 0 : i32
    %dma_wait3A_43 = arith.constant 0 : i32
    %dma_wait3A_44 = tpu.memref_slice %arg2[%dma_wait3A, %dma_wait3A_43] : memref<1024x128xf32, #tpu.memory_space<hbm>> -> memref<1024x128xf32, #tpu.memory_space<hbm>>
    tpu.wait_indirect_dma semaphore(%arg10 : memref<!tpu.dma_semaphore, #tpu.memory_space<semaphore_mem>>) src(%dma_wait3A_44 : memref<1024x128xf32, #tpu.memory_space<hbm>>) dst(%arg7 : memref<288x128xf32, #tpu.memory_space<vmem>>)
    %dma_wait3A_45 = arith.constant 0 : i32
    %dma_wait3A_46 = tpu.memref_slice %arg4[%select_n3A, %mul3A_34, %dma_wait3A_45] : memref<16x576x64xf32, #tpu.memory_space<hbm>> -> memref<1x288x64xf32, #tpu.memory_space<hbm>>
    %dma_wait3A_47 = tpu.memref_squeeze %dma_wait3A_46 : memref<1x288x64xf32, #tpu.memory_space<hbm>> -> memref<288x64xf32, #tpu.memory_space<hbm>>
    %dma_wait3A_48 = arith.constant 0 : i32
    %dma_wait3A_49 = tpu.memref_slice %arg4[%select_n3A, %mul3A_34, %dma_wait3A_48] : memref<16x576x64xf32, #tpu.memory_space<hbm>> -> memref<1x288x64xf32, #tpu.memory_space<hbm>>
    %dma_wait3A_50 = tpu.memref_squeeze %dma_wait3A_49 : memref<1x288x64xf32, #tpu.memory_space<hbm>> -> memref<288x64xf32, #tpu.memory_space<hbm>>
    tpu.wait_dma2 semaphore(%arg11 : memref<!tpu.dma_semaphore, #tpu.memory_space<semaphore_mem>>) src(%dma_wait3A_50 : memref<288x64xf32, #tpu.memory_space<hbm>>) dst(%arg8 : memref<288x64xf32, #tpu.memory_space<vmem>>)
    %parallel_loop3A = arith.constant 0 : i32
    %parallel_loop3A_51 = arith.constant 288 : i32
    %parallel_loop3A_52 = arith.constant 1 : i32
    scf.for %parallel_loop3A_55 = %parallel_loop3A to %parallel_loop3A_51 step %parallel_loop3A_52  : i32 {
      %parallel_loop3A_56 = arith.index_cast %parallel_loop3A_55 : i32 to index
      %parallel_loop3A_57 = arith.constant 0 : index
      %parallel_loop3A_58 = tpu.vector_load %arg7[%parallel_loop3A_56, %parallel_loop3A_57] {strides = array<i32>} : memref<288x128xf32, #tpu.memory_space<vmem>>, vector<1x16xf32>,
      %parallel_loop3A_59 = vector.shape_cast %parallel_loop3A_58 : vector<1x16xf32> to vector<16xf32>
      %parallel_loop3A_60 = arith.index_cast %parallel_loop3A_55 : i32 to index
      %parallel_loop3A_61 = arith.constant 0 : index
      %parallel_loop3A_62 = tpu.vector_load %arg8[%parallel_loop3A_60, %parallel_loop3A_61] {strides = array<i32>} : memref<288x64xf32, #tpu.memory_space<vmem>>, vector<1x16xf32>,
      %parallel_loop3A_63 = vector.shape_cast %parallel_loop3A_62 : vector<1x16xf32> to vector<16xf32>
      %parallel_loop3A_64 = arith.subf %parallel_loop3A_63, %parallel_loop3A_59 : vector<16xf32>
      %parallel_loop3A_65 = arith.addf %parallel_loop3A_59, %parallel_loop3A_64 : vector<16xf32>
      %parallel_loop3A_66 = arith.index_cast %parallel_loop3A_55 : i32 to index
      %parallel_loop3A_67 = arith.constant 0 : index
      %parallel_loop3A_68 = tpu.vector_load %arg9[%parallel_loop3A_66, %parallel_loop3A_67] {strides = array<i32>} : memref<288x64xf32, #tpu.memory_space<vmem>>, vector<1x16xf32>,
      %parallel_loop3A_69 = vector.shape_cast %parallel_loop3A_68 : vector<1x16xf32> to vector<16xf32>
      %parallel_loop3A_70 = vector.shape_cast %parallel_loop3A_65 : vector<16xf32> to vector<1x16xf32>
      tpu.vector_store %arg9[%parallel_loop3A_66, %parallel_loop3A_67], %parallel_loop3A_70 {strides = array<i32>} : memref<288x64xf32, #tpu.memory_space<vmem>>, vector<1x16xf32>,
      %parallel_loop3A_71 = arith.index_cast %parallel_loop3A_55 : i32 to index
      %parallel_loop3A_72 = arith.constant 16 : index
      %parallel_loop3A_73 = tpu.vector_load %arg7[%parallel_loop3A_71, %parallel_loop3A_72] {strides = array<i32>} : memref<288x128xf32, #tpu.memory_space<vmem>>, vector<1x16xf32>,
      %parallel_loop3A_74 = vector.shape_cast %parallel_loop3A_73 : vector<1x16xf32> to vector<16xf32>
      %parallel_loop3A_75 = arith.index_cast %parallel_loop3A_55 : i32 to index
      %parallel_loop3A_76 = arith.constant 16 : index
      %parallel_loop3A_77 = tpu.vector_load %arg8[%parallel_loop3A_75, %parallel_loop3A_76] {strides = array<i32>} : memref<288x64xf32, #tpu.memory_space<vmem>>, vector<1x16xf32>,
      %parallel_loop3A_78 = vector.shape_cast %parallel_loop3A_77 : vector<1x16xf32> to vector<16xf32>
      %parallel_loop3A_79 = arith.subf %parallel_loop3A_78, %parallel_loop3A_74 : vector<16xf32>
      %parallel_loop3A_80 = arith.addf %parallel_loop3A_74, %parallel_loop3A_79 : vector<16xf32>
      %parallel_loop3A_81 = arith.index_cast %parallel_loop3A_55 : i32 to index
      %parallel_loop3A_82 = arith.constant 16 : index
      %parallel_loop3A_83 = tpu.vector_load %arg9[%parallel_loop3A_81, %parallel_loop3A_82] {strides = array<i32>} : memref<288x64xf32, #tpu.memory_space<vmem>>, vector<1x16xf32>,
      %parallel_loop3A_84 = vector.shape_cast %parallel_loop3A_83 : vector<1x16xf32> to vector<16xf32>
      %parallel_loop3A_85 = vector.shape_cast %parallel_loop3A_80 : vector<16xf32> to vector<1x16xf32>
      tpu.vector_store %arg9[%parallel_loop3A_81, %parallel_loop3A_82], %parallel_loop3A_85 {strides = array<i32>} : memref<288x64xf32, #tpu.memory_space<vmem>>, vector<1x16xf32>,
      %parallel_loop3A_86 = arith.index_cast %parallel_loop3A_55 : i32 to index
      %parallel_loop3A_87 = arith.constant 32 : index
      %parallel_loop3A_88 = tpu.vector_load %arg7[%parallel_loop3A_86, %parallel_loop3A_87] {strides = array<i32>} : memref<288x128xf32, #tpu.memory_space<vmem>>, vector<1x16xf32>,
      %parallel_loop3A_89 = vector.shape_cast %parallel_loop3A_88 : vector<1x16xf32> to vector<16xf32>
      %parallel_loop3A_90 = arith.index_cast %parallel_loop3A_55 : i32 to index
      %parallel_loop3A_91 = arith.constant 32 : index
      %parallel_loop3A_92 = tpu.vector_load %arg8[%parallel_loop3A_90, %parallel_loop3A_91] {strides = array<i32>} : memref<288x64xf32, #tpu.memory_space<vmem>>, vector<1x16xf32>,
      %parallel_loop3A_93 = vector.shape_cast %parallel_loop3A_92 : vector<1x16xf32> to vector<16xf32>
      %parallel_loop3A_94 = arith.subf %parallel_loop3A_93, %parallel_loop3A_89 : vector<16xf32>
      %parallel_loop3A_95 = arith.addf %parallel_loop3A_89, %parallel_loop3A_94 : vector<16xf32>
      %parallel_loop3A_96 = arith.index_cast %parallel_loop3A_55 : i32 to index
      %parallel_loop3A_97 = arith.constant 32 : index
      %parallel_loop3A_98 = tpu.vector_load %arg9[%parallel_loop3A_96, %parallel_loop3A_97] {strides = array<i32>} : memref<288x64xf32, #tpu.memory_space<vmem>>, vector<1x16xf32>,
      %parallel_loop3A_99 = vector.shape_cast %parallel_loop3A_98 : vector<1x16xf32> to vector<16xf32>
      %parallel_loop3A_100 = vector.shape_cast %parallel_loop3A_95 : vector<16xf32> to vector<1x16xf32>
      tpu.vector_store %arg9[%parallel_loop3A_96, %parallel_loop3A_97], %parallel_loop3A_100 {strides = array<i32>} : memref<288x64xf32, #tpu.memory_space<vmem>>, vector<1x16xf32>,
      %parallel_loop3A_101 = arith.index_cast %parallel_loop3A_55 : i32 to index
      %parallel_loop3A_102 = arith.constant 48 : index
      %parallel_loop3A_103 = tpu.vector_load %arg7[%parallel_loop3A_101, %parallel_loop3A_102] {strides = array<i32>} : memref<288x128xf32, #tpu.memory_space<vmem>>, vector<1x16xf32>,
      %parallel_loop3A_104 = vector.shape_cast %parallel_loop3A_103 : vector<1x16xf32> to vector<16xf32>
      %parallel_loop3A_105 = arith.index_cast %parallel_loop3A_55 : i32 to index
      %parallel_loop3A_106 = arith.constant 48 : index
      %parallel_loop3A_107 = tpu.vector_load %arg8[%parallel_loop3A_105, %parallel_loop3A_106] {strides = array<i32>} : memref<288x64xf32, #tpu.memory_space<vmem>>, vector<1x16xf32>,
      %parallel_loop3A_108 = vector.shape_cast %parallel_loop3A_107 : vector<1x16xf32> to vector<16xf32>
      %parallel_loop3A_109 = arith.subf %parallel_loop3A_108, %parallel_loop3A_104 : vector<16xf32>
      %parallel_loop3A_110 = arith.addf %parallel_loop3A_104, %parallel_loop3A_109 : vector<16xf32>
      %parallel_loop3A_111 = arith.index_cast %parallel_loop3A_55 : i32 to index
      %parallel_loop3A_112 = arith.constant 48 : index
      %parallel_loop3A_113 = tpu.vector_load %arg9[%parallel_loop3A_111, %parallel_loop3A_112] {strides = array<i32>} : memref<288x64xf32, #tpu.memory_space<vmem>>, vector<1x16xf32>,
      %parallel_loop3A_114 = vector.shape_cast %parallel_loop3A_113 : vector<1x16xf32> to vector<16xf32>
      %parallel_loop3A_115 = vector.shape_cast %parallel_loop3A_110 : vector<16xf32> to vector<1x16xf32>
      tpu.vector_store %arg9[%parallel_loop3A_111, %parallel_loop3A_112], %parallel_loop3A_115 {strides = array<i32>} : memref<288x64xf32, #tpu.memory_space<vmem>>, vector<1x16xf32>,
    } {sc.loop_unroll_factor = 8 : i64, sc.parallel_access}
    %mul3A_53 = arith.constant 288 : i32
    %mul3A_54 = arith.muli %select_n3A_32, %mul3A_53 : i32
    "tpu.region"() ({
      %run_scoped3A = tpu.sem_alloc : memref<!tpu.dma_semaphore, #tpu.memory_space<semaphore_mem>>
      %dma_start3A_55 = arith.constant 0 : i32
      %dma_start3A_56 = tpu.memref_slice %arg5[%select_n3A, %mul3A_54, %dma_start3A_55] : memref<16x576x64xf32, #tpu.memory_space<hbm>> -> memref<1x288x64xf32, #tpu.memory_space<hbm>>
      %dma_start3A_57 = tpu.memref_squeeze %dma_start3A_56 : memref<1x288x64xf32, #tpu.memory_space<hbm>> -> memref<288x64xf32, #tpu.memory_space<hbm>>
      %dma_start3A_58 = arith.constant 0 : i32
      %dma_start3A_59 = tpu.memref_slice %arg5[%select_n3A, %mul3A_54, %dma_start3A_58] : memref<16x576x64xf32, #tpu.memory_space<hbm>> -> memref<1x288x64xf32, #tpu.memory_space<hbm>>
      %dma_start3A_60 = tpu.memref_squeeze %dma_start3A_59 : memref<1x288x64xf32, #tpu.memory_space<hbm>> -> memref<288x64xf32, #tpu.memory_space<hbm>>
      tpu.enqueue_dma source(%arg9 : memref<288x64xf32, #tpu.memory_space<vmem>>) target(%dma_start3A_60 : memref<288x64xf32, #tpu.memory_space<hbm>>) target_semaphore(%run_scoped3A : memref<!tpu.dma_semaphore, #tpu.memory_space<semaphore_mem>>)
      %dma_wait3A_61 = arith.constant 0 : i32
      %dma_wait3A_62 = tpu.memref_slice %arg5[%select_n3A, %mul3A_54, %dma_wait3A_61] : memref<16x576x64xf32, #tpu.memory_space<hbm>> -> memref<1x288x64xf32, #tpu.memory_space<hbm>>
      %dma_wait3A_63 = tpu.memref_squeeze %dma_wait3A_62 : memref<1x288x64xf32, #tpu.memory_space<hbm>> -> memref<288x64xf32, #tpu.memory_space<hbm>>
      %dma_wait3A_64 = arith.constant 0 : i32
      %dma_wait3A_65 = tpu.memref_slice %arg5[%select_n3A, %mul3A_54, %dma_wait3A_64] : memref<16x576x64xf32, #tpu.memory_space<hbm>> -> memref<1x288x64xf32, #tpu.memory_space<hbm>>
      %dma_wait3A_66 = tpu.memref_squeeze %dma_wait3A_65 : memref<1x288x64xf32, #tpu.memory_space<hbm>> -> memref<288x64xf32, #tpu.memory_space<hbm>>
      tpu.wait_dma2 semaphore(%run_scoped3A : memref<!tpu.dma_semaphore, #tpu.memory_space<semaphore_mem>>) src(%arg9 : memref<288x64xf32, #tpu.memory_space<vmem>>) dst(%dma_wait3A_66 : memref<288x64xf32, #tpu.memory_space<hbm>>)
      tpu.yield
    }) : () -> ()
    return
  }
}

module attributes {stable_mosaic.version = 14 : i64} {
  func.func @_vq_idx_block(%arg0: i32, %arg1: memref<2x576x64xf32, #tpu.memory_space<vmem>>, %arg2: memref<1024x64xf32, #tpu.memory_space<vmem>>, %arg3: memref<8x1152xi32, #tpu.memory_space<vmem>>, %arg4: memref<128x128xf32, #tpu.memory_space<vmem>>) attributes {dimension_semantics = [#tpu.dimension_semantics<arbitrary>], iteration_bounds = array<i64: 8>, scalar_prefetch = 0 : i64, scratch_operands = 0 : i64, tpu.core_type = #tpu.core_type<tc>, window_params = [{transform_indices = @transform_0, window_bounds = array<i64: 2, 576, 64>}, {pipeline_mode = #tpu.pipeline_mode<synchronous>, transform_indices = @transform_1, window_bounds = array<i64: 1024, 64>}, {transform_indices = @transform_2, window_bounds = array<i64: 8, 1152>}, {transform_indices = @transform_3, window_bounds = array<i64: 128, 128>}]} {
    %get3A = arith.constant 0 : index
    %get3A_0 = arith.constant 0 : index
    %get3A_1 = arith.constant 0 : index
    %get3A_2 = vector.load %arg1[%get3A, %get3A_0, %get3A_1] : memref<2x576x64xf32, #tpu.memory_space<vmem>>, vector<2x576x64xf32>
    %reshape3A = vector.shape_cast %get3A_2 : vector<2x576x64xf32> to vector<1152x64xf32>
    %get3A_3 = arith.constant 0 : index
    %get3A_4 = arith.constant 0 : index
    %get3A_5 = vector.load %arg2[%get3A_3, %get3A_4] : memref<1024x64xf32, #tpu.memory_space<vmem>>, vector<1024x64xf32>
    %mul3A = arith.mulf %get3A_5, %get3A_5 : vector<1024x64xf32>
    %reduce_sum3A = arith.constant dense<0.000000e+00> : vector<1024xf32>
    %reduce_sum3A_6 = vector.multi_reduction <add>, %mul3A, %reduce_sum3A [1] : vector<1024x64xf32> to vector<1024xf32>
    %broadcast_in_dim3A = vector.shape_cast %reduce_sum3A_6 : vector<1024xf32> to vector<1024x1xf32>
    %dot_general3A = arith.constant dense<0.000000e+00> : vector<1024x1152xf32>
    %dot_general3A_7 = tpu.matmul %get3A_5, %reshape3A, %dot_general3A {dimension_numbers = #tpu.dot_dimension_numbers<[1], [1], [0], [0], [0, 0, 1, 0], [], []>, transpose_lhs_hint = false} : vector<1024x64xf32>, vector<1152x64xf32>, vector<1024x1152xf32> -> vector<1024x1152xf32>
    %mul3A_8 = arith.constant 2.000000e+00 : f32
    %mul3A_9 = vector.broadcast %mul3A_8 : f32 to vector<1024x1152xf32>
    %mul3A_10 = arith.mulf %mul3A_9, %dot_general3A_7 : vector<1024x1152xf32>
    %sub3A = vector.broadcast %broadcast_in_dim3A : vector<1024x1xf32> to vector<1024x1152xf32>
    %sub3A_11 = arith.subf %sub3A, %mul3A_10 : vector<1024x1152xf32>
    %bitcast_convert_type3A = tpu.bitcast %sub3A_11 : vector<1024x1152xf32> -> vector<1024x1152xi32>
    %lt3A = arith.constant 0 : i32
    %lt3A_12 = vector.broadcast %lt3A : i32 to vector<1024x1152xi32>
    %lt3A_13 = arith.cmpi slt, %bitcast_convert_type3A, %lt3A_12 : vector<1024x1152xi32>
    %sub3A_14 = arith.constant -2147483648 : i32
    %sub3A_15 = vector.broadcast %sub3A_14 : i32 to vector<1024x1152xi32>
    %sub3A_16 = arith.subi %sub3A_15, %bitcast_convert_type3A : vector<1024x1152xi32>
    %select_n3A = arith.select %lt3A_13, %sub3A_16, %bitcast_convert_type3A : vector<1024x1152xi1>, vector<1024x1152xi32>
    %iota3A = tpu.iota {dimensions = array<i32: 0>} : vector<1024x1152xi32>
    %and3A = arith.constant -1024 : i32
    %and3A_17 = vector.broadcast %and3A : i32 to vector<1024x1152xi32>
    %and3A_18 = arith.andi %select_n3A, %and3A_17 : vector<1024x1152xi32>
    %or3A = arith.ori %and3A_18, %iota3A : vector<1024x1152xi32>
    %slice3A = vector.extract_strided_slice %or3A {offsets = [0, 0], sizes = [128, 1152], strides = [1, 1]} : vector<1024x1152xi32> to vector<128x1152xi32>
    %slice3A_19 = vector.extract_strided_slice %or3A {offsets = [128, 0], sizes = [128, 1152], strides = [1, 1]} : vector<1024x1152xi32> to vector<128x1152xi32>
    %min3A = arith.minsi %slice3A, %slice3A_19 : vector<128x1152xi32>
    %slice3A_20 = vector.extract_strided_slice %or3A {offsets = [256, 0], sizes = [128, 1152], strides = [1, 1]} : vector<1024x1152xi32> to vector<128x1152xi32>
    %min3A_21 = arith.minsi %min3A, %slice3A_20 : vector<128x1152xi32>
    %slice3A_22 = vector.extract_strided_slice %or3A {offsets = [384, 0], sizes = [128, 1152], strides = [1, 1]} : vector<1024x1152xi32> to vector<128x1152xi32>
    %min3A_23 = arith.minsi %min3A_21, %slice3A_22 : vector<128x1152xi32>
    %slice3A_24 = vector.extract_strided_slice %or3A {offsets = [512, 0], sizes = [128, 1152], strides = [1, 1]} : vector<1024x1152xi32> to vector<128x1152xi32>
    %min3A_25 = arith.minsi %min3A_23, %slice3A_24 : vector<128x1152xi32>
    %slice3A_26 = vector.extract_strided_slice %or3A {offsets = [640, 0], sizes = [128, 1152], strides = [1, 1]} : vector<1024x1152xi32> to vector<128x1152xi32>
    %min3A_27 = arith.minsi %min3A_25, %slice3A_26 : vector<128x1152xi32>
    %slice3A_28 = vector.extract_strided_slice %or3A {offsets = [768, 0], sizes = [128, 1152], strides = [1, 1]} : vector<1024x1152xi32> to vector<128x1152xi32>
    %min3A_29 = arith.minsi %min3A_27, %slice3A_28 : vector<128x1152xi32>
    %slice3A_30 = vector.extract_strided_slice %or3A {offsets = [896, 0], sizes = [128, 1152], strides = [1, 1]} : vector<1024x1152xi32> to vector<128x1152xi32>
    %min3A_31 = arith.minsi %min3A_29, %slice3A_30 : vector<128x1152xi32>
    %reduce_min3A = arith.constant dense<2147483647> : vector<1152xi32>
    %reduce_min3A_32 = vector.multi_reduction <minsi>, %min3A_31, %reduce_min3A [0] : vector<128x1152xi32> to vector<1152xi32>
    %broadcast_in_dim3A_33 = vector.shape_cast %reduce_min3A_32 : vector<1152xi32> to vector<1x1152xi32>
    %and3A_34 = arith.constant 1023 : i32
    %and3A_35 = vector.broadcast %and3A_34 : i32 to vector<1x1152xi32>
    %and3A_36 = arith.andi %broadcast_in_dim3A_33, %and3A_35 : vector<1x1152xi32>
    %broadcast_in_dim3A_37 = vector.shape_cast %and3A_36 : vector<1x1152xi32> to vector<1x1152xi32>
    %broadcast_in_dim3A_38 = vector.broadcast %broadcast_in_dim3A_37 : vector<1x1152xi32> to vector<8x1152xi32>
    %swap3A = arith.constant 0 : index
    %swap3A_39 = arith.constant 0 : index
    %swap3A_40 = vector.load %arg3[%swap3A, %swap3A_39] : memref<8x1152xi32, #tpu.memory_space<vmem>>, vector<8x1152xi32>
    tpu.vector_store %arg3[%swap3A, %swap3A_39], %broadcast_in_dim3A_38 {strides = array<i32>} : memref<8x1152xi32, #tpu.memory_space<vmem>>, vector<8x1152xi32>,
    %mul3A_41 = arith.constant 128 : i32
    %mul3A_42 = arith.muli %arg0, %mul3A_41 : i32
    %get3A_43 = arith.index_cast %mul3A_42 : i32 to index
    %get3A_44 = arith.constant 0 : index
    %get3A_45 = vector.load %arg2[%get3A_43, %get3A_44] : memref<1024x64xf32, #tpu.memory_space<vmem>>, vector<128x64xf32>
    %broadcast_in_dim3A_46 = arith.constant 0.000000e+00 : f32
    %broadcast_in_dim3A_47 = vector.broadcast %broadcast_in_dim3A_46 : f32 to vector<128x64xf32>
    %concatenate3A = tpu.concatenate %get3A_45, %broadcast_in_dim3A_47 in 1 : vector<128x64xf32>, vector<128x64xf32> -> vector<128x128xf32>
    %swap3A_48 = arith.constant 0 : index
    %swap3A_49 = arith.constant 0 : index
    %swap3A_50 = vector.load %arg4[%swap3A_48, %swap3A_49] : memref<128x128xf32, #tpu.memory_space<vmem>>, vector<128x128xf32>
    tpu.vector_store %arg4[%swap3A_48, %swap3A_49], %concatenate3A {strides = array<i32>} : memref<128x128xf32, #tpu.memory_space<vmem>>, vector<128x128xf32>,
    return
  }
  func.func @transform_0(%arg0: i32) -> (i32, i32, i32) {
    %c0_i32 = arith.constant 0 : i32
    %c0_i32_0 = arith.constant 0 : i32
    %c0_i32_1 = arith.constant 0 : i32
    return %arg0, %c0_i32, %c0_i32_0 : i32, i32, i32
  }
  func.func @transform_1(%arg0: i32) -> (i32, i32) {
    %c0_i32 = arith.constant 0 : i32
    %c0_i32_0 = arith.constant 0 : i32
    %c0_i32_1 = arith.constant 0 : i32
    return %c0_i32, %c0_i32_0 : i32, i32
  }
  func.func @transform_2(%arg0: i32) -> (i32, i32) {
    %c0_i32 = arith.constant 0 : i32
    %c0_i32_0 = arith.constant 0 : i32
    return %c0_i32, %arg0 : i32, i32
  }
  func.func @transform_3(%arg0: i32) -> (i32, i32) {
    %c0_i32 = arith.constant 0 : i32
    %c0_i32_0 = arith.constant 0 : i32
    return %arg0, %c0_i32 : i32, i32
  }
}

</mosaic_0001>

<sc_bundles>
// kernel: kernel.4.cloned.1.call-start
scs
__scs_entry_jumppad:
0x0: {  	(pc) =	sbr.rel $0x88, $3  }
0x1: {  	(tag) =	ssettag $0x0;
	lr =	simm.s32 $0x1  }
0x2: {  	[smem:$0x3F9F] =	sst lr;
	_ =	strace $0xD0000000  }
0x3: {  	_ = 	snop  }
0x4: {  	_ = 	snop  }
0x5: {  	_ = 	snop  }
0x6: {  	_ = 	snop  }
0x7: {  	_ = 	snop  }
__scs_overlays_trampoline_lowered:
0x8: {  	[smem:$0x3FAE] =	sst s0  }
0x9: {  	[smem:$0x3FAF] =	sst s1  }
0xa: {  	[smem:$0x3FB0] =	sst s2  }
0xb: {  	[smem:$0x3FB1] =	sst s3  }
0xc: {  	[smem:$0x3FB2] =	sst s4  }
0xd: {  	[smem:$0x3FB3] =	sst s5  }
0xe: {  	[smem:$0x3FB4] =	sst s6  }
0xf: {  	[smem:$0x3FB5] =	sst s7  }
0x10: {  	[smem:$0x3FB6] =	sst s8  }
0x11: {  	[smem:$0x3FB7] =	sst s9;
	s0 =	simm.s32 @!p0 $0x0  }
0x12: {  	s1 =	sld [smem:$0x3F9D];
	s0 =	simm.s32 @p0 $0x1  }
0x13: {  	[smem:$0x3FB8] =	sst s0;
	s0 =	simm.s32 @!p1 $0x0  }
0x14: {  	s2 =	sld [smem:$0x3F9C];
	s0 =	simm.s32 @p1 $0x1  }
0x15: {  	[smem:$0x3FB9] =	sst s0;
	s0 =	simm.s32 @!p2 $0x0  }
0x16: {  	s3 =	sld [smem:$0x3FDB];
	s0 =	simm.s32 @p2 $0x1  }
0x17: {  	s4 =	simm.s32 $0x1BF5;
	[smem:$0x3FBB] =	sst s0  }
0x18: {  	s0 =	sld [smem:$0x3F9E];
	_ =	swait.ge [sflag:s4], $0x0  }
0x19: {  	s7 =	sld [smem:$0x3F9F]  }
0x1a: {  	s8 =	sadd.s32 $0xFFFFE003, lr  }
0x1b: {  	s9 =	sadd.s32 $0xFFFFFEF7, lr;
	s5 =	simm.s32 $0xFFFFFFFF;
	p2 =	slt.u32 s8, $0xFFFFF086  }
0x1c: {  	p1 =	slt.u32 s9, $0xF7A;
	s5 =	simm.s32 @!p2 $0x0  }
0x1d: {  	s5 =	simm.s32 @p1 $0x1;
	p0 =	seq.s32 s7, s2  }
0x1e: {  	s7 =	smul.u32 @!p0 $0xF7A, s2;
	p2 =	seq.s32 @!p0 s5, $0x0  }
0x1f: {  	s9 =	smul.u32 $0xF7A, s1;
	s8 =	simm.s32 @!p0 $0x1BF5;
	p2 =	por !p2, p0  }
0x20: {  	[sflag:s8] =	ssyncset.s32 @!p0 $0xFFFFF086;
	s6 =	sadd.s32 @!p0 s3, s7;
	s7 =	simm.s32 @!p0 $0x108  }
0x21: {  	s3 =	sadd.s32 s3, s9;
	s6 =	sadd.s32 @!p0 $0x88, s6;
	s7 =	simm.s32 @p2 $0x1082  }
0x22: {  	[simem:s7], [sflag:s8] =	dma.local @!p0 [hbm:s6], $0xF7A  }
0x23: {  	s9 =	sor.u32 $0xD0000000, s2;
	s6 =	simm.s32 $0x108;
	_ =	swait.ge @!p0 [sflag:s8], $0x0  }
0x24: {  	s3 =	sadd.s32 $0x88, s3;
	s6 =	simm.s32 @!p1 $0x1082;
	[sflag:s4] =	ssyncset.s32 $0xFFFFF086  }
0x25: {  	[simem:s6], [sflag:s4] =	dma.local [hbm:s3], $0xF7A  }
0x26: {  	[smem:$0x3F9F] =	sst s1;
	(tag) =	ssettag s2;
	_ =	strace s9  }
0x27: {  	s1 =	sld [smem:$0x3FAF]  }
0x28: {  	s2 =	sld [smem:$0x3FB0]  }
0x29: {  	s4 =	sld [smem:$0x3FB2]  }
0x2a: {  	p0 =	seq.s32 s5, $0x0;
	s5 =	sld [smem:$0x3FB3]  }
0x2b: {  	s6 =	sld [smem:$0x3FB4]  }
0x2c: {  	s7 =	sld [smem:$0x3FB5]  }
0x2d: {  	s3 =	simm.s32 $0x108;
	s8 =	sld [smem:$0x3FB6]  }
0x2e: {  	s3 =	simm.s32 @!p0 $0x1082;
	s9 =	sld [smem:$0x3FB7]  }
0x2f: {  	lr =	sadd.s32 s0, s3;
	s0 =	sld [smem:$0x3FAE]  }
0x30: {  	s3 =	sld [smem:$0x3FB1]  }
0x31: {  	[smem:$0x3FBA] =	sst s10  }
0x32: {  	s10 =	sld [smem:$0x3FB8];
	_ =	sdelay $0x3  }
0x33: {  	p0 =	seq.s32 s10, $0x1;
	s10 =	sld [smem:$0x3FBA];
	_ =	sdelay $0x3  }
0x34: {  	[smem:$0x3FBA] =	sst s10  }
0x35: {  	s10 =	sld [smem:$0x3FB9];
	_ =	sdelay $0x3  }
0x36: {  	p1 =	seq.s32 s10, $0x1;
	s10 =	sld [smem:$0x3FBA];
	_ =	sdelay $0x3  }
0x37: {  	[smem:$0x3FBA] =	sst s10  }
0x38: {  	s10 =	sld [smem:$0x3FBB]  }
0x39: {  	_ = 	snop;
	(pc) =	sbr.ind lr, $3  }
0x3a: {  	_ = 	snop  }
0x3b: {  	_ = 	snop  }
0x3c: {  	p2 =	seq.s32 s10, $0x1;
	s10 =	sld [smem:$0x3FBA]  }
0x3d: {  	_ =	shalt  }
0x3e: {  	_ =	shalt  }
0x3f: {  	_ =	shalt  }
0x40: {  	_ =	shalt  }
0x41: {  	_ =	shalt  }
0x42: {  	_ =	shalt  }
0x43: {  	_ =	shalt  }
0x44: {  	_ =	shalt  }
0x45: {  	_ =	shalt  }
0x46: {  	_ =	shalt  }
0x47: {  	_ =	shalt  }
0x48: {  	_ =	shalt  }
0x49: {  	_ =	shalt  }
0x4a: {  	_ =	shalt  }
0x4b: {  	_ =	shalt  }
0x4c: {  	_ =	shalt  }
0x4d: {  	_ =	shalt  }
0x4e: {  	_ =	shalt  }
0x4f: {  	_ =	shalt  }
0x50: {  	_ =	shalt  }
0x51: {  	_ =	shalt  }
0x52: {  	_ =	shalt  }
0x53: {  	_ =	shalt  }
0x54: {  	_ =	shalt  }
0x55: {  	_ =	shalt  }
0x56: {  	_ =	shalt  }
0x57: {  	_ =	shalt  }
0x58: {  	_ =	shalt  }
0x59: {  	_ =	shalt  }
0x5a: {  	_ =	shalt  }
0x5b: {  	_ =	shalt  }
0x5c: {  	_ =	shalt  }
0x5d: {  	_ =	shalt  }
0x5e: {  	_ =	shalt  }
0x5f: {  	_ =	shalt  }
0x60: {  	_ =	shalt  }
0x61: {  	_ =	shalt  }
0x62: {  	_ =	shalt  }
0x63: {  	_ =	shalt  }
0x64: {  	_ =	shalt  }
0x65: {  	_ =	shalt  }
0x66: {  	_ =	shalt  }
0x67: {  	_ =	shalt  }
0x68: {  	_ =	shalt  }
0x69: {  	_ =	shalt  }
0x6a: {  	_ =	shalt  }
0x6b: {  	_ =	shalt  }
0x6c: {  	_ =	shalt  }
0x6d: {  	_ =	shalt  }
0x6e: {  	_ =	shalt  }
0x6f: {  	_ =	shalt  }
0x70: {  	_ =	shalt  }
0x71: {  	_ =	shalt  }
0x72: {  	_ =	shalt  }
0x73: {  	_ =	shalt  }
0x74: {  	_ =	shalt  }
0x75: {  	_ =	shalt  }
0x76: {  	_ =	shalt  }
0x77: {  	_ =	shalt  }
0x78: {  	_ =	shalt  }
0x79: {  	_ =	shalt  }
0x7a: {  	_ =	shalt  }
0x7b: {  	_ =	shalt  }
0x7c: {  	_ =	shalt  }
0x7d: {  	_ =	shalt  }
0x7e: {  	_ =	shalt  }
0x7f: {  	_ =	shalt  }
0x80: {  	_ =	shalt  }
0x81: {  	_ =	shalt  }
0x82: {  	_ =	shalt  }
0x83: {  	_ =	shalt  }
0x84: {  	_ =	shalt  }
0x85: {  	_ =	shalt  }
0x86: {  	_ =	shalt  }
0x87: {  	_ =	shalt  }
.Lfunc_end0:
.L_simem_size_0:
called_computation_lowered:
.L_overlay_start_0:
0x88: {  	s2 =	sld [smem:$0x3FD9]  }
0x89: {  	s3 =	sld [smem:$0x3FFE];
	_ =	sdelay $0x1  }
0x8a: {  	s1 =	srdreg.scid  }
0x8b: {  	s0 =	sand.u32 $0x1, s1  }
0x8c: {  	s17 =	sshll.u32 s0, $0xA;
	s2 =	sadd.s32 s3, s2  }
0x8d: {  	s2 =	sadd.s32 s2, s17  }
0x8e: {  	[smem:$0x3FC6] =	sst s2  }
0x8f: {  	_ = 	snop  }
0x90: {  	s2 =	sld [smem:$0x3FD0];
	(tm) =	ssettm $0x1  }
0x91: {  	s18 =	sld [smem:$0x3FFB];
	_ =	sdelay $0x3  }
0x92: {  	_ =	strace s18  }
0x93: {  	s3 =	sld [smem:$0x3FFC];
	_ =	sdelay $0x3  }
0x94: {  	_ =	strace s3  }
0x95: {  	s3 =	sld [smem:$0x3FFD];
	_ =	sdelay $0x3  }
0x96: {  	_ =	strace s3  }
0x97: {  	_ =	strace $0x8FFFFFFF  }
0x98: {  	s19 =	sld [smem:$0x3FDB];
	_ =	sdelay $0x1  }
0x99: {  	s4 =	simm.s32 $_scs_section_size  }
0x9a: {  	s5 =	simm.s32 $_size__tile_overlayer_lowered;
	s6 =	simm.s32 $_tile_overlayer_lowered  }
0x9b: {  	s22 =	simm.s32 $0x1BFF;
	s21 =	sshll.u32 s6, $0x1;
	s3 =	sadd.s32 s4, s19  }
0x9c: {  	s7 =	simm.s32 $0x0;
	s20 =	sshll.u32 s5, $0x1;
	s5 =	sadd.s32 s21, s3  }
0x9d: {  	[timem:s7], [sflag:s22] =	dma.local [hbm:s5], s20  }
0x9e: {  	_ =	swait.ge [sflag:s22], s20  }
0x9f: {  	s4 =	ssub.s32 $0x0, s20;
	[sflag:s22] =	ssyncset.done $0x0  }
0xa0: {  	[sflag:s22] =	ssyncadd.s32 s4;
	_ =	sdelay $0x1  }
0xa1: {  	s23 =	simm.s32 $0x1B8B  }
0xa2: {  	_ =	swait.ge [sflag:s23], $0x1  }
0xa3: {  	[sflag:s23] =	ssyncset.done $0x0  }
0xa4: {  	s25 =	simm.s32 $0x1B8E;
	s24 =	sld [smem:$0x3FFE];
	[sflag:s23] =	ssyncadd.s32 $0xFFFFFFFF  }
0xa5: {  	s26 =	simm.s32 $execute0_lowered;
	[smem:$0x3FD2] =	sst s25  }
0xa6: {  	s5 =	sshll.u32 s26, $0x1;
	_ =	strace $0x80000046;
	[dreg:$0x1] =	wrdreg $0xFFFFFFFF  }
0xa7: {  	s28 =	simm.s32 $_size_execute0_lowered;
	s3 =	sadd.s32 s3, s5;
	[dreg:$0x0] =	wrdreg $0x0  }
0xa8: {  	s5 =	sshll.u32 s28, $0x1;
	[dreg:$0x2] =	wrdreg s3  }
0xa9: {  	[dreg:$0x3] =	wrdreg s5  }
0xaa: {  	[dreg:$0x4] =	wrdreg $0xC0  }
0xab: {  	_ =	task [dreg:s7], $0x5FFFF  }
0xac: {  	[dreg:$0x1] =	wrdreg $0xFFFFFFFF  }
0xad: {  	[dreg:$0x0] =	wrdreg $0x60  }
0xae: {  	[dreg:$0x2] =	wrdreg s2  }
0xaf: {  	[dreg:$0x3] =	wrdreg s24  }
0xb0: {  	[dreg:$0x4] =	wrdreg $0x9  }
0xb1: {  	_ =	task.clear_ibuf [dreg:s7], $0x5FFFF;
	_ =	strace $0x90000046  }
0xb2: {  	s29 =	simm.s32 $0x9;
	_ =	strace $0x80000048  }
0xb3: {  	_ =	swait.ge [sflag:s29], $0x1  }
0xb4: {  	[sflag:s29] =	ssyncadd.s32 $0xFFFFFFFF  }
0xb5: {  	_ =	strace $0x90000048  }
0xb6: {  	_ =	sfence  }
0xb7: {  	s30 =	sld [smem:$0x0];
	_ =	sdelay $0x2  }
0xb8: {  	s31 =	sshll.u32 s1, $0xD;
	s1 =	sshrl.u32 s1, $0x2  }
0xb9: {  	s3 =	sand.u32 $0x4000, s31;
	s1 =	sadd.s32 s1, s30  }
0xba: {  	s0 =	sor.u32 s3, s0;
	s1 =	sshll.u32 s1, $0x11  }
0xbb: {  	s0 =	sor.u32 s1, s0  }
0xbc: {  	s0 =	sadd.s32 $0x8F2B, s0  }
0xbd: {  	[sflag:s0] =	ssyncadd.remote.s32 $0x1  }
0xbe: {  	_ =	sfence.sel $0xFFFF  }
0xbf: {  	[dreg:$0x0] =	wrdreg $0xFFFFFFFF;
	(pc) =	sbr.abs _section_cstart, $3  }
0xc0: {  	[dreg:$0x1] =	wrdreg $0xFFFFFFFF  }
0xc1: {  	_ =	task.clear_ibuf [dreg:s7], $0x2FFFF;
	_ =	strace $0x9FFFFFFF  }
0xc2: {  	(tm) =	ssettm $0x7FFFFFFF  }
0xc3: {  	_ =	shalt  }
tec
execute0_lowered:
.L_overlay_start_1:
0x0: {  	(tag) =	ssettag $0x1  }
0x1: {  	s1 =	srdreg.scid;
	s0 =	stileid.u32  }
0x2: {  	s2 =	rddreg [dreg:$0x0];
	s4 =	sand.u32 $0x1, s1;
	s26 =	sshll.u32 s0, $0x1  }
0x3: {  	s6 =	simm.s32 $0x1;
	s7 =	rddreg [dreg:$0x1];
	s5 =	sor.u32 s4, s26  }
0x4: {  	s3 =	simm.s32 $0x0;
	p1 =	seq.s32 s4, $0x1;
	p0 =	seq.s32 s5, $0x0  }
0x5: {  	s8 =	simm.s32 $0x9000;
	s10 =	simm.s32 $0x3;
	p0 =	por !p0, !p1  }
0x6: {  	s11 =	simm.s32 $0x120;
	s12 =	simm.s32 $0x180;
	p0 =	por !p0, !p0  }
0x7: {  	s13 =	simm.s32 $0x2;
	s14 =	simm.s32 $0x12180;
	s6 =	simm.s32 @!p0 $0x0  }
0x8: {  	s15 =	simm.s32 $0x0;
	[smem:$0x7FF] =	sst s3;
	s6 =	ssub.s32 s0, s6  }
0x9: {  	s1 =	rddreg [dreg:$0x2];
	_ =	strace $0x80000047;
	s6 =	smul.u32 $0x12000, s6  }
0xa: {  	s30 =	ssub.s32 $0x2, s4;
	s5 =	smul.u32 $0x24, s5;
	s8 =	simm.s32 @!p1 $0x0  }
0xb: {  	s4 =	simm.s32 $0x1;
	s31 =	sshrl.u32 s30, $0x1;
	s6 =	sadd.s32 s8, s6  }
0xc: {  	s9 =	ssub.s32 s30, s31;
	s28 =	sadd.s32 s5, s7;
	s29 =	sshrl.u32 s6, $0x3  }
0xd: {  	s8 =	smax.u32 s9, $0x1;
	s9 =	simm.s32 $0x9180;
	s7 =	sadd.s32 s29, s7  }
0xe: {  	s6 =	sadd.s32 $0x24A00, s28;
	s5 =	sadd.s32 $0xA00, s7;
	s7 =	sadd.s32 $0x26E00, s7  }
.LBB2_1:
0xf: {  	[tilespmem:s9], [sflag:$0x2] =	stream.linear.gather [hbm4b:s5+s3], $0x9000, $0x38;
	[tilespmem:$0x1B180] =	vst v63  }
0x10: {  	_ = 	snop  }
0x11: {  	[tilespmem:s3], [sflag:$0x3] =	stream.linear.gather [hbm4b:s6+s3], $0x120, $0x38;
	[tilespmem:$0x1B180] =	vst v63  }
0x12: {  	_ =	swait.ge [sflag:s10], $0x120  }
0x13: {  	[sflag:s10] =	ssyncset.done $0x0  }
0x14: {  	[sflag:s10] =	ssyncadd.s32 $0xFFFFFEE0  }
0x15: {  	[tilespmem:s12], [sflag:$0x1] =	stream.indirect.gather [hbm4b:s2+s11], $0x80, s3, s11, $0xb8;
	[tilespmem:$0x1B180] =	vst v63  }
0x16: {  	_ =	swait.ge [sflag:s4], $0x9000  }
0x17: {  	[sflag:s4] =	ssyncset.done $0x0  }
0x18: {  	[sflag:s4] =	ssyncadd.s32 $0xFFFF7000  }
0x19: {  	_ =	swait.ge [sflag:s13], $0x9000  }
0x1a: {  	[sflag:s13] =	ssyncset.done $0x0  }
0x1b: {  	s18 =	simm.s32 $0x380;
	[sflag:s13] =	ssyncadd.s32 $0xFFFF7000  }
0x1c: {  	s17 =	simm.s32 $0x9380;
	v0 =	vld [tilespmem:s18+$0x180]  }
0x1d: {  	v1 =	vld [tilespmem:s17+$0x180]  }
0x1e: {  	v2 =	vld [tilespmem:s17+$0xFFFFFE00]  }
0x1f: {  	v3 =	vld [tilespmem:s18+$0xFFFFFE80]  }
0x20: {  	v4 =	vld [tilespmem:s17+$0xFFFFFE80]  }
0x21: {  	v5 =	vld [tilespmem:s18+$0xFFFFFF00]  }
0x22: {  	v6 =	vld [tilespmem:s17+$0xFFFFFF00]  }
0x23: {  	v7 =	vld [tilespmem:s18+$0xFFFFFF80];
	v1 =	vsub.f32 v1, v0  }
0x24: {  	v8 =	vld [tilespmem:s17+$0xFFFFFF80]  }
0x25: {  	v9 =	vld [tilespmem:s17+$0x0];
	v0 =	vadd.f32 v1, v0  }
0x26: {  	s16 =	simm.s32 $0x12380;
	v11 =	vld [tilespmem:s18+$0x80]  }
0x27: {  	v1 =	vld [tilespmem:s18+$0x0];
	[tilespmem:s16+$0x180] =	vst v0  }
0x28: {  	v4 =	vsub.f32 v4, v3;
	v0 =	vld [tilespmem:s18+$0x190]  }
0x29: {  	v8 =	vsub.f32 v8, v7;
	v10 =	vld [tilespmem:s17+$0x190]  }
0x2a: {  	v12 =	vld [tilespmem:s17+$0x80];
	v3 =	vadd.f32 v4, v3;
	v4 =	vsub.f32 v6, v5  }
0x2b: {  	v13 =	vld [tilespmem:s17+$0x100];
	v7 =	vadd.f32 v8, v7  }
0x2c: {  	v6 =	vld [tilespmem:s18+$0x100];
	[tilespmem:s16+$0xFFFFFE80] =	vst v3;
	v3 =	vadd.f32 v4, v5;
	v8 =	vsub.f32 v9, v1  }
0x2d: {  	v4 =	vld [tilespmem:s18+$0xFFFFFE00]  }
0x2e: {  	[tilespmem:s16+$0xFFFFFF00] =	vst v3;
	v3 =	vld [tilespmem:s17+$0xFFFFFE90];
	v1 =	vadd.f32 v8, v1;
	v5 =	vsub.f32 v10, v0  }
0x2f: {  	[tilespmem:s16+$0xFFFFFF80] =	vst v7;
	v9 =	vld [tilespmem:s17+$0xFFFFFF10]  }
0x30: {  	v8 =	vld [tilespmem:s17+$0xFFFFFF90];
	[tilespmem:s16+$0x0] =	vst v1;
	v1 =	vsub.f32 v12, v11;
	v0 =	vadd.f32 v5, v0  }
0x31: {  	v10 =	vld [tilespmem:s18+$0xFFFFFE90]  }
0x32: {  	v5 =	vld [tilespmem:s18+$0xFFFFFF10];
	v1 =	vadd.f32 v1, v11;
	[tilespmem:s16+$0x190] =	vst v0  }
0x33: {  	v11 =	vsub.f32 v13, v6;
	v0 =	vsub.f32 v2, v4;
	v2 =	vld [tilespmem:s18+$0x1A0]  }
0x34: {  	v7 =	vld [tilespmem:s17+$0x1A0]  }
0x35: {  	[tilespmem:s16+$0x80] =	vst v1;
	v1 =	vadd.f32 v11, v6;
	v6 =	vld [tilespmem:s17+$0x10];
	v0 =	vadd.f32 v0, v4  }
0x36: {  	v4 =	vld [tilespmem:s18+$0xFFFFFF90]  }
0x37: {  	v11 =	vld [tilespmem:s18+$0x90];
	[tilespmem:s16+$0xFFFFFE00] =	vst v0  }
0x38: {  	v9 =	vsub.f32 v9, v5;
	v58 =	vld [tilespmem:s18+$0xFFFFFE10]  }
0x39: {  	v59 =	vld [tilespmem:s17+$0xFFFFFE10];
	v7 =	vsub.f32 v7, v2  }
0x3a: {  	[tilespmem:s16+$0x100] =	vst v1;
	v1 =	vld [tilespmem:s17+$0x90];
	v5 =	vadd.f32 v9, v5  }
0x3b: {  	v0 =	vld [tilespmem:s18+$0x10];
	v8 =	vsub.f32 v8, v4;
	v2 =	vadd.f32 v7, v2  }
0x3c: {  	v3 =	vsub.f32 v3, v10;
	[tilespmem:s16+$0xFFFFFF10] =	vst v5;
	v7 =	vld [tilespmem:s18+$0x110]  }
0x3d: {  	v4 =	vadd.f32 v8, v4;
	v8 =	vld [tilespmem:s18+$0xFFFFFF20];
	[tilespmem:s16+$0x1A0] =	vst v2  }
0x3e: {  	v2 =	vadd.f32 v3, v10;
	v3 =	vsub.f32 v59, v58;
	v10 =	vld [tilespmem:s18+$0x1B0]  }
0x3f: {  	v60 =	vld [tilespmem:s17+$0x1B0]  }
0x40: {  	[tilespmem:s16+$0xFFFFFE90] =	vst v2;
	v2 =	vadd.f32 v3, v58;
	v3 =	vld [tilespmem:s17+$0x110]  }
0x41: {  	v61 =	vld [tilespmem:s18+$0xFFFFFEA0]  }
0x42: {  	v5 =	vsub.f32 v6, v0;
	[tilespmem:s16+$0xFFFFFE10] =	vst v2;
	v2 =	vld [tilespmem:s17+$0xFFFFFEA0]  }
0x43: {  	v9 =	vld [tilespmem:s18+$0xFFFFFE20]  }
0x44: {  	v1 =	vsub.f32 v1, v11;
	v0 =	vadd.f32 v5, v0;
	v6 =	vld [tilespmem:s17+$0xFFFFFE20]  }
0x45: {  	[tilespmem:s16+$0xFFFFFF90] =	vst v4;
	v4 =	vld [tilespmem:s17+$0xFFFFFF20]  }
0x46: {  	v5 =	vld [tilespmem:s18+$0xFFFFFFA0];
	[tilespmem:s16+$0x10] =	vst v0;
	v0 =	vadd.f32 v1, v11;
	v1 =	vsub.f32 v3, v7  }
0x47: {  	v11 =	vld [tilespmem:s18+$0x20]  }
0x48: {  	[tilespmem:s16+$0x90] =	vst v0;
	v3 =	vld [tilespmem:s17+$0xFFFFFFA0];
	v0 =	vadd.f32 v1, v7  }
0x49: {  	v7 =	vld [tilespmem:s18+$0xA0];
	v2 =	vsub.f32 v2, v61;
	v1 =	vsub.f32 v6, v9  }
0x4a: {  	v6 =	vld [tilespmem:s17+$0x20]  }
0x4b: {  	[tilespmem:s16+$0x110] =	vst v0;
	v2 =	vadd.f32 v2, v61;
	v0 =	vadd.f32 v1, v9;
	v1 =	vld [tilespmem:s17+$0xA0]  }
0x4c: {  	v4 =	vsub.f32 v4, v8;
	v9 =	vld [tilespmem:s18+$0x120]  }
0x4d: {  	v62 =	vld [tilespmem:s17+$0x120];
	[tilespmem:s16+$0xFFFFFEA0] =	vst v2  }
0x4e: {  	v2 =	vsub.f32 v3, v5;
	[tilespmem:s16+$0xFFFFFE20] =	vst v0;
	v0 =	vadd.f32 v4, v8;
	v8 =	vld [tilespmem:s18+$0xFFFFFEB0]  }
0x4f: {  	v14 =	vld [tilespmem:s18+$0xFFFFFE30]  }
0x50: {  	v3 =	vld [tilespmem:s17+$0xFFFFFE30];
	[tilespmem:s16+$0xFFFFFF20] =	vst v0;
	v0 =	vadd.f32 v2, v5;
	v2 =	vsub.f32 v6, v11  }
0x51: {  	v4 =	vld [tilespmem:s17+$0xFFFFFEB0]  }
0x52: {  	v6 =	vld [tilespmem:s18+$0xFFFFFF30];
	v1 =	vsub.f32 v1, v7;
	v2 =	vadd.f32 v2, v11  }
0x53: {  	v5 =	vld [tilespmem:s17+$0xFFFFFF30];
	[tilespmem:s16+$0xFFFFFFA0] =	vst v0  }
0x54: {  	v0 =	vld [tilespmem:s18+$0xFFFFFFB0];
	[tilespmem:s16+$0x20] =	vst v2;
	v2 =	vadd.f32 v1, v7;
	v7 =	vsub.f32 v62, v9  }
0x55: {  	v63 =	vld [tilespmem:s17+$0xFFFFFFB0];
	v3 =	vsub.f32 v3, v14  }
0x56: {  	v1 =	vld [tilespmem:s18+$0x30];
	v7 =	vadd.f32 v7, v9;
	v9 =	vsub.f32 v4, v8  }
0x57: {  	v11 =	vsub.f32 v60, v10;
	[tilespmem:s16+$0xA0] =	vst v2;
	v4 =	vld [tilespmem:s17+$0x30];
	v3 =	vadd.f32 v3, v14  }
0x58: {  	v2 =	vld [tilespmem:s18+$0xB0];
	[tilespmem:s16+$0x120] =	vst v7;
	v7 =	vadd.f32 v9, v8;
	v8 =	vsub.f32 v5, v6  }
0x59: {  	v10 =	vadd.f32 v11, v10;
	v5 =	vld [tilespmem:s17+$0xB0];
	[tilespmem:s16+$0xFFFFFE30] =	vst v3  }
0x5a: {  	v3 =	vld [tilespmem:s18+$0x130];
	[tilespmem:s16+$0xFFFFFEB0] =	vst v7;
	v7 =	vadd.f32 v8, v6;
	v8 =	vsub.f32 v63, v0  }
0x5b: {  	s19 =	simm.s32 $0x780;
	[tilespmem:s16+$0x1B0] =	vst v10;
	s18 =	simm.s32 $0x0;
	v6 =	vld [tilespmem:s17+$0x130]  }
.LBB2_2:
0x5c: {  	v9 =	vld [tilespmem:s19+$0x180];
	[tilespmem:s16+$0xFFFFFF30] =	vst v7;
	v0 =	vadd.f32 v8, v0;
	v4 =	vsub.f32 v4, v1;
	s17 =	sadd.s32 $0x400, s17  }
0x5d: {  	v7 =	vld [tilespmem:s17+$0x180]  }
0x5e: {  	v8 =	vld [tilespmem:s17+$0xFFFFFE00];
	[tilespmem:s16+$0xFFFFFFB0] =	vst v0;
	v0 =	vadd.f32 v4, v1;
	v1 =	vsub.f32 v5, v2  }
0x5f: {  	v4 =	vld [tilespmem:s19+$0xFFFFFE80]  }
0x60: {  	s18 =	sadd.s32 $0x8, s18;
	v5 =	vld [tilespmem:s17+$0xFFFFFE80];
	[tilespmem:s16+$0x30] =	vst v0;
	v0 =	vadd.f32 v1, v2;
	v1 =	vsub.f32 v6, v3  }
0x61: {  	p0 =	slt.u32 s18, $0x118;
	v2 =	vld [tilespmem:s19+$0xFFFFFF00]  }
0x62: {  	v6 =	vld [tilespmem:s17+$0xFFFFFF00];
	v7 =	vsub.f32 v7, v9;
	[tilespmem:s16+$0xB0] =	vst v0;
	v0 =	vadd.f32 v1, v3  }
0x63: {  	v1 =	vld [tilespmem:s19+$0xFFFFFF80]  }
0x64: {  	v3 =	vld [tilespmem:s17+$0xFFFFFF80];
	v7 =	vadd.f32 v7, v9;
	[tilespmem:s16+$0x130] =	vst v0  }
0x65: {  	s16 =	sadd.s32 $0x400, s16;
	v0 =	vsub.f32 v5, v4;
	v5 =	vld [tilespmem:s19+$0x0]  }
0x66: {  	v9 =	vld [tilespmem:s17+$0x0];
	[tilespmem:s16+$0x180] =	vst v7  }
0x67: {  	v0 =	vadd.f32 v0, v4;
	v4 =	vsub.f32 v6, v2;
	v6 =	vld [tilespmem:s19+$0x190]  }
0x68: {  	v7 =	vld [tilespmem:s17+$0x190]  }
0x69: {  	[tilespmem:s16+$0xFFFFFE80] =	vst v0;
	v0 =	vadd.f32 v4, v2;
	v2 =	vsub.f32 v3, v1;
	v3 =	vld [tilespmem:s19+$0x80]  }
0x6a: {  	v4 =	vld [tilespmem:s17+$0x80]  }
0x6b: {  	[tilespmem:s16+$0xFFFFFF00] =	vst v0;
	v0 =	vadd.f32 v2, v1;
	v1 =	vsub.f32 v9, v5;
	v2 =	vld [tilespmem:s19+$0x100]  }
0x6c: {  	v9 =	vld [tilespmem:s17+$0x100]  }
0x6d: {  	v10 =	vld [tilespmem:s19+$0xFFFFFE00];
	[tilespmem:s16+$0xFFFFFF80] =	vst v0;
	v0 =	vadd.f32 v1, v5;
	v1 =	vsub.f32 v7, v6  }
0x6e: {  	v5 =	vld [tilespmem:s19+$0xFFFFFE90]  }
0x6f: {  	v7 =	vld [tilespmem:s17+$0xFFFFFE90];
	[tilespmem:s16+$0x0] =	vst v0;
	v0 =	vsub.f32 v4, v3;
	v1 =	vadd.f32 v1, v6  }
0x70: {  	v4 =	vld [tilespmem:s19+$0xFFFFFF10]  }
0x71: {  	v6 =	vld [tilespmem:s17+$0xFFFFFF10];
	v0 =	vadd.f32 v0, v3;
	v3 =	vsub.f32 v9, v2;
	[tilespmem:s16+$0x190] =	vst v1  }
0x72: {  	v1 =	vsub.f32 v8, v10;
	v8 =	vld [tilespmem:s19+$0x1A0]  }
0x73: {  	[tilespmem:s16+$0x80] =	vst v0;
	v0 =	vadd.f32 v3, v2;
	v2 =	vld [tilespmem:s17+$0x1A0]  }
0x74: {  	v1 =	vadd.f32 v1, v10;
	v3 =	vsub.f32 v7, v5;
	v7 =	vld [tilespmem:s19+$0xFFFFFF90]  }
0x75: {  	v9 =	vld [tilespmem:s17+$0xFFFFFF90];
	[tilespmem:s16+$0x100] =	vst v0  }
0x76: {  	[tilespmem:s16+$0xFFFFFE00] =	vst v1;
	v0 =	vadd.f32 v3, v5;
	v1 =	vsub.f32 v6, v4;
	v3 =	vld [tilespmem:s19+$0x10]  }
0x77: {  	v5 =	vld [tilespmem:s19+$0xFFFFFE10]  }
0x78: {  	v6 =	vld [tilespmem:s17+$0xFFFFFE10];
	[tilespmem:s16+$0xFFFFFE90] =	vst v0;
	v0 =	vadd.f32 v1, v4;
	v1 =	vsub.f32 v2, v8  }
0x79: {  	v2 =	vld [tilespmem:s17+$0x10]  }
0x7a: {  	[tilespmem:s16+$0xFFFFFF10] =	vst v0;
	v0 =	vsub.f32 v9, v7;
	v4 =	vld [tilespmem:s19+$0x90];
	v1 =	vadd.f32 v1, v8  }
0x7b: {  	v8 =	vld [tilespmem:s17+$0x90]  }
0x7c: {  	v0 =	vadd.f32 v0, v7;
	v7 =	vld [tilespmem:s19+$0x110];
	[tilespmem:s16+$0x1A0] =	vst v1  }
0x7d: {  	v1 =	vsub.f32 v6, v5;
	v6 =	vld [tilespmem:s19+$0x1B0]  }
0x7e: {  	[tilespmem:s16+$0xFFFFFF90] =	vst v0;
	v0 =	vsub.f32 v2, v3;
	v2 =	vld [tilespmem:s17+$0x1B0]  }
0x7f: {  	v1 =	vadd.f32 v1, v5;
	v5 =	vld [tilespmem:s17+$0x110]  }
0x80: {  	v9 =	vld [tilespmem:s19+$0xFFFFFEA0];
	v0 =	vadd.f32 v0, v3;
	v3 =	vsub.f32 v8, v4  }
0x81: {  	[tilespmem:s16+$0xFFFFFE10] =	vst v1;
	v1 =	vld [tilespmem:s17+$0xFFFFFEA0]  }
0x82: {  	v8 =	vld [tilespmem:s19+$0xFFFFFE20];
	[tilespmem:s16+$0x10] =	vst v0;
	v0 =	vadd.f32 v3, v4  }
0x83: {  	v3 =	vld [tilespmem:s17+$0xFFFFFE20];
	v2 =	vsub.f32 v2, v6  }
0x84: {  	v4 =	vld [tilespmem:s19+$0xFFFFFF20];
	[tilespmem:s16+$0x90] =	vst v0;
	v0 =	vsub.f32 v5, v7  }
0x85: {  	v5 =	vld [tilespmem:s17+$0xFFFFFF20];
	v2 =	vadd.f32 v2, v6  }
0x86: {  	v1 =	vsub.f32 v1, v9;
	v6 =	vld [tilespmem:s19+$0xFFFFFFA0];
	v0 =	vadd.f32 v0, v7  }
0x87: {  	v7 =	vld [tilespmem:s17+$0xFFFFFFA0];
	[tilespmem:s16+$0x1B0] =	vst v2  }
0x88: {  	v2 =	vsub.f32 v3, v8;
	v1 =	vadd.f32 v1, v9;
	v3 =	vld [tilespmem:s19+$0x20];
	[tilespmem:s16+$0x110] =	vst v0  }
0x89: {  	v0 =	vld [tilespmem:s17+$0x20]  }
0x8a: {  	v2 =	vadd.f32 v2, v8;
	[tilespmem:s16+$0xFFFFFEA0] =	vst v1;
	v1 =	vsub.f32 v5, v4;
	v5 =	vld [tilespmem:s19+$0xA0]  }
0x8b: {  	v8 =	vld [tilespmem:s17+$0xA0]  }
0x8c: {  	[tilespmem:s16+$0xFFFFFE20] =	vst v2;
	v1 =	vadd.f32 v1, v4;
	v2 =	vsub.f32 v7, v6;
	v4 =	vld [tilespmem:s19+$0x120]  }
0x8d: {  	v7 =	vld [tilespmem:s17+$0x120]  }
0x8e: {  	v9 =	vld [tilespmem:s19+$0xFFFFFE30];
	[tilespmem:s16+$0xFFFFFF20] =	vst v1;
	v1 =	vadd.f32 v2, v6;
	v0 =	vsub.f32 v0, v3  }
0x8f: {  	v2 =	vld [tilespmem:s17+$0xFFFFFE30]  }
0x90: {  	v6 =	vld [tilespmem:s19+$0xFFFFFEB0];
	[tilespmem:s16+$0xFFFFFFA0] =	vst v1;
	v0 =	vadd.f32 v0, v3;
	v1 =	vsub.f32 v8, v5  }
0x91: {  	v3 =	vld [tilespmem:s17+$0xFFFFFEB0]  }
0x92: {  	v8 =	vld [tilespmem:s19+$0xFFFFFF30];
	[tilespmem:s16+$0x20] =	vst v0;
	v1 =	vadd.f32 v1, v5;
	v5 =	vsub.f32 v7, v4  }
0x93: {  	v7 =	vld [tilespmem:s17+$0xFFFFFF30]  }
0x94: {  	v2 =	vsub.f32 v2, v9;
	v0 =	vld [tilespmem:s19+$0xFFFFFFB0];
	[tilespmem:s16+$0xA0] =	vst v1;
	v4 =	vadd.f32 v5, v4  }
0x95: {  	v10 =	vld [tilespmem:s17+$0xFFFFFFB0]  }
0x96: {  	v2 =	vadd.f32 v2, v9;
	v3 =	vsub.f32 v3, v6;
	v1 =	vld [tilespmem:s19+$0x30];
	[tilespmem:s16+$0x120] =	vst v4  }
.Ltmp0:
0x97: {  	v4 =	vld [tilespmem:s17+$0x30];
	(pc) =	sbr.rel @p0 .LBB2_2-.Ltmp0, $4  }
0x98: {  	[tilespmem:s16+$0xFFFFFE30] =	vst v2;
	v3 =	vadd.f32 v3, v6;
	v6 =	vsub.f32 v7, v8;
	v2 =	vld [tilespmem:s19+$0xB0]  }
0x99: {  	v5 =	vld [tilespmem:s17+$0xB0]  }
0x9a: {  	[tilespmem:s16+$0xFFFFFEB0] =	vst v3;
	v7 =	vadd.f32 v6, v8;
	v8 =	vsub.f32 v10, v0;
	v3 =	vld [tilespmem:s19+$0x130]  }
0x9b: {  	s19 =	sadd.s32 $0x400, s19;
	v6 =	vld [tilespmem:s17+$0x130]  }
0x9c: {  	_ =	sdelay $0x1  }
0x9d: {  	v4 =	vsub.f32 v4, v1  }
0x9e: {  	v0 =	vadd.f32 v8, v0;
	v5 =	vsub.f32 v5, v2  }
0x9f: {  	[tilespmem:s16+$0xFFFFFF30] =	vst v7;
	v1 =	vadd.f32 v4, v1;
	v61 =	vsub.f32 v6, v3  }
0xa0: {  	[tilespmem:s16+$0xFFFFFFB0] =	vst v0;
	v62 =	vadd.f32 v5, v2  }
0xa1: {  	s15 =	sadd.s32 $0x1, s15;
	[tilespmem:s16+$0x30] =	vst v1;
	v63 =	vadd.f32 v61, v3  }
0xa2: {  	p0 =	sne.s32 s15, s8;
	[tilespmem:s16+$0xB0] =	vst v62  }
.Ltmp1:
0xa3: {  	[tilespmem:s16+$0x130] =	vst v63;
	(pc) =	sbr.rel @p0 .LBB2_1-.Ltmp1, $4  }
0xa4: {  	[hbm4b:s7+s3] =	stream.linear.scatter [tilespmem:s14], [sflag:$0x3], $0x9000, $0x38;
	[tilespmem:$0x1B180] =	vst v63  }
0xa5: {  	_ =	swait.ge [sflag:s10], $0x9000  }
0xa6: {  	[sflag:s10] =	ssyncset.done $0x0  }
0xa7: {  	[sflag:s10] =	ssyncadd.s32 $0xFFFF7000  }
0xa8: {  	_ =	sfence.sel $0x180000  }
0xa9: {  	[bflag:$0x0] =	sbarrier.arrive $0xFFFF  }
0xaa: {  	p0 =	sne.s32 s0, $0x0;
	_ =	strace $0x90000047  }
0xab: {  	s0 =	sadd.s32 @!p0 $0x100000, s1;
	[bflag:$0x2] =	sbarrier.arrive $0xFFFF  }
0xac: {  	[sflag:s0] =	ssyncadd.tile.s32 @!p0 $0x1;
	_ =	shalt  }
.Lfunc_end2:
_tile_overlayer_lowered:
.L_overlay_start_2:
0xad: {  	(tag) =	ssettag $0x2  }
0xae: {  	s0 =	rddreg [dreg:$0x0];
	s2 =	stileid.u32  }
0xaf: {  	s1 =	rddreg [dreg:$0x1];
	p0 =	sne.s32 s2, $0x0  }
0xb0: {  	s3 =	rddreg [dreg:$0x2];
	[bflag:$0x3] =	sbarrier.arrive $0xFFFF;
	s2 =	simm.s32 @!p0 $0x1C03  }
0xb1: {  	[timem:s3], [sflag:s2] =	dma.local @!p0 [hbm:s0], s1  }
0xb2: {  	s0 =	simm.s32 @!p0 $0x3  }
0xb3: {  	_ =	swait.ge @!p0 [sflag:s0], s1  }
0xb4: {  	s1 =	ssub.s32 @!p0 $0x0, s1;
	[sflag:s0] =	ssyncset.done @!p0 $0x0  }
0xb5: {  	[sflag:s0] =	ssyncadd.s32 @!p0 s1  }
0xb6: {  	[bflag:$0x3] =	sbarrier.arrive $0xFFFF  }
0xb7: {  	_ =	shalt  }

</sc_bundles>
